<compile_context>
chip_gen: v7x
topology: tpu7x:2x2x1
jax: 0.10.2.dev20260603
libtpu: 0.0.44.dev20260713+nightly
codegen_flags: <defaults>
</compile_context>

<pallas_src>
import functools

import jax
import jax.numpy as jnp
from jax import lax
from jax.experimental import pallas as pl
from jax.experimental.pallas import tpu as pltpu
from jax.experimental.pallas import tpu_sc as plsc

R = 1024
C = 100000
B = 16384
L = 16
NC, NS = 2, 16
NW = NC * NS
ROWS_PER_W = R // NW
OUT_CHUNK = 4096
NCHUNK = B // OUT_CHUNK

_mesh = plsc.VectorSubcoreMesh(core_axis_name="c", subcore_axis_name="s")


@functools.partial(
    pl.kernel,
    mesh=_mesh,
    out_type=jax.ShapeDtypeStruct((R, B), jnp.float32),
    compiler_params=pltpu.CompilerParams(needs_layout_passes=False),
    scratch_types=[
        pltpu.VMEM((B,), jnp.int32),
        pltpu.VMEM((C,), jnp.float32),
        pltpu.VMEM((OUT_CHUNK,), jnp.float32),
        pltpu.VMEM((OUT_CHUNK,), jnp.float32),
        pltpu.SemaphoreType.DMA,
        pltpu.SemaphoreType.DMA,
        pltpu.SemaphoreType.DMA,
    ],
)
def _gather_rows(x_hbm, idx_hbm, out_hbm, idx_v, row_v, o0, o1, s_row, s0, s1):
    wid = lax.axis_index("s") * NC + lax.axis_index("c")
    row0 = wid * ROWS_PER_W
    pltpu.sync_copy(idx_hbm, idx_v)
    obufs = (o0, o1)
    osems = (s0, s1)

    pltpu.async_copy(x_hbm.at[row0], row_v, s_row)

    def row_body(r, carry):
        row = row0 + r
        pltpu.make_async_copy(x_hbm.at[row], row_v, s_row).wait()
        for c in range(NCHUNK):
            buf = obufs[c % 2]
            sem = osems[c % 2]
            if c >= 2:
                pltpu.make_async_copy(buf, out_hbm.at[row, pl.ds(0, OUT_CHUNK)], sem).wait()
            else:
                @pl.when(r > 0)
                def _():
                    pltpu.make_async_copy(
                        buf, out_hbm.at[row, pl.ds(0, OUT_CHUNK)], sem).wait()

            @plsc.parallel_loop(0, OUT_CHUNK, step=L, unroll=8)
            def _gather(off):
                vidx = idx_v[pl.ds(c * OUT_CHUNK + off, L)]
                buf[pl.ds(off, L)] = plsc.load_gather(row_v, [vidx])

            if c == NCHUNK - 1:
                @pl.when(r < ROWS_PER_W - 1)
                def _():
                    pltpu.async_copy(x_hbm.at[row + 1], row_v, s_row)
            pltpu.async_copy(buf, out_hbm.at[row, pl.ds(c * OUT_CHUNK, OUT_CHUNK)], sem)
        return carry

    lax.fori_loop(0, ROWS_PER_W, row_body, 0)

    last = row0 + ROWS_PER_W - 1
    for c in (NCHUNK - 2, NCHUNK - 1):
        pltpu.make_async_copy(
            obufs[c % 2], out_hbm.at[last, pl.ds(0, OUT_CHUNK)], osems[c % 2]).wait()


def kernel(x, inds):
    return _gather_rows(x, inds.astype(jnp.int32))

# --- scband reference (transcript-rebuilt; emitter-appended) ---
"""Pipeline reference for scband-input-gather-74955769249905 (READ-ONLY COPY).

The authoritative reference and input builder live on the scoring server;
editing this copy changes nothing except your own understanding.
"""

import jax, jax.numpy as jnp
import numpy as np

def setup_inputs(seed: int = 0) -> dict:
    key = jax.random.key(seed)
    k1, k2 = jax.random.split(key)
    x = jax.random.normal(k1, (1024, 100000), dtype=jnp.float32)
    inds = jax.random.randint(k2, (16384,), 0, 100000, dtype=jnp.int64)
    return {"x": x, "inds": inds}

def reference(x, inds):
    return jnp.take(x, inds, axis=-1)

if __name__ == "__main__":
    import jax
    _d = setup_inputs()
    print(jax.jit(kernel)(*tuple(_d.values())))

</pallas_src>

<mosaic_0001>
#map = affine_map<(d0, d1) -> (0, 0)>
#map1 = affine_map<(d0, d1) -> (0)>
module attributes {stable_mosaic.version = 14 : i64} {
  func.func @_gather_rows(%arg0: i32, %arg1: i32, %arg2: memref<1024x100000xf32, #tpu.memory_space<hbm>>, %arg3: memref<16384xi32, #tpu.memory_space<hbm>>, %arg4: memref<1024x16384xf32, #tpu.memory_space<hbm>>, %arg5: memref<16384xi32, #tpu.memory_space<vmem>>, %arg6: memref<100000xf32, #tpu.memory_space<vmem>>, %arg7: memref<4096xf32, #tpu.memory_space<vmem>>, %arg8: memref<4096xf32, #tpu.memory_space<vmem>>, %arg9: memref<!tpu.dma_semaphore, #tpu.memory_space<semaphore_mem>>, %arg10: memref<!tpu.dma_semaphore, #tpu.memory_space<semaphore_mem>>, %arg11: memref<!tpu.dma_semaphore, #tpu.memory_space<semaphore_mem>>) attributes {dimension_semantics = [#tpu.dimension_semantics<core_parallel>, #tpu.dimension_semantics<subcore_parallel>], iteration_bounds = array<i64: 2, 16>, scalar_prefetch = 0 : i64, scratch_operands = 7 : i64, tpu.core_type = #tpu.core_type<sc_vector_subcore>, window_params = [{transform_indices = #map}, {transform_indices = #map1}, {transform_indices = #map}]} {
    %mul3A = arith.constant 2 : i32
    %mul3A_0 = arith.muli %arg1, %mul3A : i32
    %add3A = arith.addi %mul3A_0, %arg0 : i32
    %mul3A_1 = arith.constant 32 : i32
    %mul3A_2 = arith.muli %add3A, %mul3A_1 : i32
    "tpu.region"() ({
      %run_scoped3A = tpu.sem_alloc : memref<!tpu.dma_semaphore, #tpu.memory_space<semaphore_mem>>
      tpu.enqueue_dma source(%arg3 : memref<16384xi32, #tpu.memory_space<hbm>>) target(%arg5 : memref<16384xi32, #tpu.memory_space<vmem>>) target_semaphore(%run_scoped3A : memref<!tpu.dma_semaphore, #tpu.memory_space<semaphore_mem>>)
      tpu.wait_dma2 semaphore(%run_scoped3A : memref<!tpu.dma_semaphore, #tpu.memory_space<semaphore_mem>>) src(%arg3 : memref<16384xi32, #tpu.memory_space<hbm>>) dst(%arg5 : memref<16384xi32, #tpu.memory_space<vmem>>)
      tpu.yield
    }) : () -> ()
    %dma_start3A = arith.constant 0 : i32
    %dma_start3A_3 = tpu.memref_slice %arg2[%mul3A_2, %dma_start3A] : memref<1024x100000xf32, #tpu.memory_space<hbm>> -> memref<1x100000xf32, #tpu.memory_space<hbm>>
    %dma_start3A_4 = tpu.memref_squeeze %dma_start3A_3 : memref<1x100000xf32, #tpu.memory_space<hbm>> -> memref<100000xf32, #tpu.memory_space<hbm>>
    %dma_start3A_5 = arith.constant 0 : i32
    %dma_start3A_6 = tpu.memref_slice %arg2[%mul3A_2, %dma_start3A_5] : memref<1024x100000xf32, #tpu.memory_space<hbm>> -> memref<1x100000xf32, #tpu.memory_space<hbm>>
    %dma_start3A_7 = tpu.memref_squeeze %dma_start3A_6 : memref<1x100000xf32, #tpu.memory_space<hbm>> -> memref<100000xf32, #tpu.memory_space<hbm>>
    tpu.enqueue_dma source(%dma_start3A_7 : memref<100000xf32, #tpu.memory_space<hbm>>) target(%arg6 : memref<100000xf32, #tpu.memory_space<vmem>>) target_semaphore(%arg9 : memref<!tpu.dma_semaphore, #tpu.memory_space<semaphore_mem>>)
    %scan3A = arith.constant 0 : i32
    %scan3A_8 = arith.constant 0 : i32
    %scan3A_9 = arith.constant 32 : i32
    %scan3A_10 = arith.addi %scan3A_8, %scan3A_9 : i32
    %scan3A_11 = arith.constant 1 : i32
    scf.for %scan3A_27 = %scan3A_8 to %scan3A_10 step %scan3A_11  : i32 {
      %add3A_28 = arith.addi %mul3A_2, %scan3A_27 : i32
      %dma_wait3A_29 = arith.constant 0 : i32
      %dma_wait3A_30 = tpu.memref_slice %arg2[%add3A_28, %dma_wait3A_29] : memref<1024x100000xf32, #tpu.memory_space<hbm>> -> memref<1x100000xf32, #tpu.memory_space<hbm>>
      %dma_wait3A_31 = tpu.memref_squeeze %dma_wait3A_30 : memref<1x100000xf32, #tpu.memory_space<hbm>> -> memref<100000xf32, #tpu.memory_space<hbm>>
      %dma_wait3A_32 = arith.constant 0 : i32
      %dma_wait3A_33 = tpu.memref_slice %arg2[%add3A_28, %dma_wait3A_32] : memref<1024x100000xf32, #tpu.memory_space<hbm>> -> memref<1x100000xf32, #tpu.memory_space<hbm>>
      %dma_wait3A_34 = tpu.memref_squeeze %dma_wait3A_33 : memref<1x100000xf32, #tpu.memory_space<hbm>> -> memref<100000xf32, #tpu.memory_space<hbm>>
      tpu.wait_dma2 semaphore(%arg9 : memref<!tpu.dma_semaphore, #tpu.memory_space<semaphore_mem>>) src(%dma_wait3A_34 : memref<100000xf32, #tpu.memory_space<hbm>>) dst(%arg6 : memref<100000xf32, #tpu.memory_space<vmem>>)
      %gt3A = arith.constant 0 : i32
      %gt3A_35 = arith.cmpi sgt, %scan3A_27, %gt3A : i32
      %convert_element_type3A = arith.extui %gt3A_35 : i1 to i32
      %cond3A = arith.constant 0 : i32
      %cond3A_36 = arith.cmpi ne, %convert_element_type3A, %cond3A : i32
      scf.if %cond3A_36 {
        %dma_wait3A_93 = arith.constant 0 : i32
        %dma_wait3A_94 = tpu.memref_slice %arg4[%add3A_28, %dma_wait3A_93] : memref<1024x16384xf32, #tpu.memory_space<hbm>> -> memref<1x4096xf32, #tpu.memory_space<hbm>>
        %dma_wait3A_95 = tpu.memref_squeeze %dma_wait3A_94 : memref<1x4096xf32, #tpu.memory_space<hbm>> -> memref<4096xf32, #tpu.memory_space<hbm>>
        %dma_wait3A_96 = arith.constant 0 : i32
        %dma_wait3A_97 = tpu.memref_slice %arg4[%add3A_28, %dma_wait3A_96] : memref<1024x16384xf32, #tpu.memory_space<hbm>> -> memref<1x4096xf32, #tpu.memory_space<hbm>>
        %dma_wait3A_98 = tpu.memref_squeeze %dma_wait3A_97 : memref<1x4096xf32, #tpu.memory_space<hbm>> -> memref<4096xf32, #tpu.memory_space<hbm>>
        tpu.wait_dma2 semaphore(%arg10 : memref<!tpu.dma_semaphore, #tpu.memory_space<semaphore_mem>>) src(%arg7 : memref<4096xf32, #tpu.memory_space<vmem>>) dst(%dma_wait3A_98 : memref<4096xf32, #tpu.memory_space<hbm>>)
      } else {
      }
      %parallel_loop3A = arith.constant 0 : i32
      %parallel_loop3A_37 = arith.constant 4096 : i32
      %parallel_loop3A_38 = arith.constant 16 : i32
      scf.for %parallel_loop3A_93 = %parallel_loop3A to %parallel_loop3A_37 step %parallel_loop3A_38  : i32 {
        %parallel_loop3A_94 = arith.constant 0 : i32
        %parallel_loop3A_95 = arith.addi %parallel_loop3A_94, %parallel_loop3A_93 : i32
        %parallel_loop3A_96 = arith.index_cast %parallel_loop3A_95 : i32 to index
        %parallel_loop3A_97 = tpu.vector_load %arg5[%parallel_loop3A_96] {strides = array<i32>} : memref<16384xi32, #tpu.memory_space<vmem>>, vector<16xi32>,
        %parallel_loop3A_98 = tpu.vector_load_idx %arg6[%parallel_loop3A_97] : memref<100000xf32, #tpu.memory_space<vmem>>[vector<16xi32>], vector<16xf32>,
        %parallel_loop3A_99 = arith.index_cast %parallel_loop3A_93 : i32 to index
        %parallel_loop3A_100 = tpu.vector_load %arg7[%parallel_loop3A_99] {strides = array<i32>} : memref<4096xf32, #tpu.memory_space<vmem>>, vector<16xf32>,
        tpu.vector_store %arg7[%parallel_loop3A_99], %parallel_loop3A_98 {strides = array<i32>} : memref<4096xf32, #tpu.memory_space<vmem>>, vector<16xf32>,
      } {sc.loop_unroll_factor = 8 : i64, sc.parallel_access}
      %dma_start3A_39 = arith.constant 0 : i32
      %dma_start3A_40 = tpu.memref_slice %arg4[%add3A_28, %dma_start3A_39] : memref<1024x16384xf32, #tpu.memory_space<hbm>> -> memref<1x4096xf32, #tpu.memory_space<hbm>>
      %dma_start3A_41 = tpu.memref_squeeze %dma_start3A_40 : memref<1x4096xf32, #tpu.memory_space<hbm>> -> memref<4096xf32, #tpu.memory_space<hbm>>
      %dma_start3A_42 = arith.constant 0 : i32
      %dma_start3A_43 = tpu.memref_slice %arg4[%add3A_28, %dma_start3A_42] : memref<1024x16384xf32, #tpu.memory_space<hbm>> -> memref<1x4096xf32, #tpu.memory_space<hbm>>
      %dma_start3A_44 = tpu.memref_squeeze %dma_start3A_43 : memref<1x4096xf32, #tpu.memory_space<hbm>> -> memref<4096xf32, #tpu.memory_space<hbm>>
      tpu.enqueue_dma source(%arg7 : memref<4096xf32, #tpu.memory_space<vmem>>) target(%dma_start3A_44 : memref<4096xf32, #tpu.memory_space<hbm>>) target_semaphore(%arg10 : memref<!tpu.dma_semaphore, #tpu.memory_space<semaphore_mem>>)
      %gt3A_45 = arith.constant 0 : i32
      %gt3A_46 = arith.cmpi sgt, %scan3A_27, %gt3A_45 : i32
      %convert_element_type3A_47 = arith.extui %gt3A_46 : i1 to i32
      %cond3A_48 = arith.constant 0 : i32
      %cond3A_49 = arith.cmpi ne, %convert_element_type3A_47, %cond3A_48 : i32
      scf.if %cond3A_49 {
        %dma_wait3A_93 = arith.constant 0 : i32
        %dma_wait3A_94 = tpu.memref_slice %arg4[%add3A_28, %dma_wait3A_93] : memref<1024x16384xf32, #tpu.memory_space<hbm>> -> memref<1x4096xf32, #tpu.memory_space<hbm>>
        %dma_wait3A_95 = tpu.memref_squeeze %dma_wait3A_94 : memref<1x4096xf32, #tpu.memory_space<hbm>> -> memref<4096xf32, #tpu.memory_space<hbm>>
        %dma_wait3A_96 = arith.constant 0 : i32
        %dma_wait3A_97 = tpu.memref_slice %arg4[%add3A_28, %dma_wait3A_96] : memref<1024x16384xf32, #tpu.memory_space<hbm>> -> memref<1x4096xf32, #tpu.memory_space<hbm>>
        %dma_wait3A_98 = tpu.memref_squeeze %dma_wait3A_97 : memref<1x4096xf32, #tpu.memory_space<hbm>> -> memref<4096xf32, #tpu.memory_space<hbm>>
        tpu.wait_dma2 semaphore(%arg11 : memref<!tpu.dma_semaphore, #tpu.memory_space<semaphore_mem>>) src(%arg8 : memref<4096xf32, #tpu.memory_space<vmem>>) dst(%dma_wait3A_98 : memref<4096xf32, #tpu.memory_space<hbm>>)
      } else {
      }
      %parallel_loop3A_50 = arith.constant 0 : i32
      %parallel_loop3A_51 = arith.constant 4096 : i32
      %parallel_loop3A_52 = arith.constant 16 : i32
      scf.for %parallel_loop3A_93 = %parallel_loop3A_50 to %parallel_loop3A_51 step %parallel_loop3A_52  : i32 {
        %parallel_loop3A_94 = arith.constant 4096 : i32
        %parallel_loop3A_95 = arith.addi %parallel_loop3A_94, %parallel_loop3A_93 : i32
        %parallel_loop3A_96 = arith.index_cast %parallel_loop3A_95 : i32 to index
        %parallel_loop3A_97 = tpu.vector_load %arg5[%parallel_loop3A_96] {strides = array<i32>} : memref<16384xi32, #tpu.memory_space<vmem>>, vector<16xi32>,
        %parallel_loop3A_98 = tpu.vector_load_idx %arg6[%parallel_loop3A_97] : memref<100000xf32, #tpu.memory_space<vmem>>[vector<16xi32>], vector<16xf32>,
        %parallel_loop3A_99 = arith.index_cast %parallel_loop3A_93 : i32 to index
        %parallel_loop3A_100 = tpu.vector_load %arg8[%parallel_loop3A_99] {strides = array<i32>} : memref<4096xf32, #tpu.memory_space<vmem>>, vector<16xf32>,
        tpu.vector_store %arg8[%parallel_loop3A_99], %parallel_loop3A_98 {strides = array<i32>} : memref<4096xf32, #tpu.memory_space<vmem>>, vector<16xf32>,
      } {sc.loop_unroll_factor = 8 : i64, sc.parallel_access}
      %dma_start3A_53 = arith.constant 4096 : i32
      %dma_start3A_54 = tpu.memref_slice %arg4[%add3A_28, %dma_start3A_53] : memref<1024x16384xf32, #tpu.memory_space<hbm>> -> memref<1x4096xf32, #tpu.memory_space<hbm>>
      %dma_start3A_55 = tpu.memref_squeeze %dma_start3A_54 : memref<1x4096xf32, #tpu.memory_space<hbm>> -> memref<4096xf32, #tpu.memory_space<hbm>>
      %dma_start3A_56 = arith.constant 4096 : i32
      %dma_start3A_57 = tpu.memref_slice %arg4[%add3A_28, %dma_start3A_56] : memref<1024x16384xf32, #tpu.memory_space<hbm>> -> memref<1x4096xf32, #tpu.memory_space<hbm>>
      %dma_start3A_58 = tpu.memref_squeeze %dma_start3A_57 : memref<1x4096xf32, #tpu.memory_space<hbm>> -> memref<4096xf32, #tpu.memory_space<hbm>>
      tpu.enqueue_dma source(%arg8 : memref<4096xf32, #tpu.memory_space<vmem>>) target(%dma_start3A_58 : memref<4096xf32, #tpu.memory_space<hbm>>) target_semaphore(%arg11 : memref<!tpu.dma_semaphore, #tpu.memory_space<semaphore_mem>>)
      %dma_wait3A_59 = arith.constant 0 : i32
      %dma_wait3A_60 = tpu.memref_slice %arg4[%add3A_28, %dma_wait3A_59] : memref<1024x16384xf32, #tpu.memory_space<hbm>> -> memref<1x4096xf32, #tpu.memory_space<hbm>>
      %dma_wait3A_61 = tpu.memref_squeeze %dma_wait3A_60 : memref<1x4096xf32, #tpu.memory_space<hbm>> -> memref<4096xf32, #tpu.memory_space<hbm>>
      %dma_wait3A_62 = arith.constant 0 : i32
      %dma_wait3A_63 = tpu.memref_slice %arg4[%add3A_28, %dma_wait3A_62] : memref<1024x16384xf32, #tpu.memory_space<hbm>> -> memref<1x4096xf32, #tpu.memory_space<hbm>>
      %dma_wait3A_64 = tpu.memref_squeeze %dma_wait3A_63 : memref<1x4096xf32, #tpu.memory_space<hbm>> -> memref<4096xf32, #tpu.memory_space<hbm>>
      tpu.wait_dma2 semaphore(%arg10 : memref<!tpu.dma_semaphore, #tpu.memory_space<semaphore_mem>>) src(%arg7 : memref<4096xf32, #tpu.memory_space<vmem>>) dst(%dma_wait3A_64 : memref<4096xf32, #tpu.memory_space<hbm>>)
      %parallel_loop3A_65 = arith.constant 0 : i32
      %parallel_loop3A_66 = arith.constant 4096 : i32
      %parallel_loop3A_67 = arith.constant 16 : i32
      scf.for %parallel_loop3A_93 = %parallel_loop3A_65 to %parallel_loop3A_66 step %parallel_loop3A_67  : i32 {
        %parallel_loop3A_94 = arith.constant 8192 : i32
        %parallel_loop3A_95 = arith.addi %parallel_loop3A_94, %parallel_loop3A_93 : i32
        %parallel_loop3A_96 = arith.index_cast %parallel_loop3A_95 : i32 to index
        %parallel_loop3A_97 = tpu.vector_load %arg5[%parallel_loop3A_96] {strides = array<i32>} : memref<16384xi32, #tpu.memory_space<vmem>>, vector<16xi32>,
        %parallel_loop3A_98 = tpu.vector_load_idx %arg6[%parallel_loop3A_97] : memref<100000xf32, #tpu.memory_space<vmem>>[vector<16xi32>], vector<16xf32>,
        %parallel_loop3A_99 = arith.index_cast %parallel_loop3A_93 : i32 to index
        %parallel_loop3A_100 = tpu.vector_load %arg7[%parallel_loop3A_99] {strides = array<i32>} : memref<4096xf32, #tpu.memory_space<vmem>>, vector<16xf32>,
        tpu.vector_store %arg7[%parallel_loop3A_99], %parallel_loop3A_98 {strides = array<i32>} : memref<4096xf32, #tpu.memory_space<vmem>>, vector<16xf32>,
      } {sc.loop_unroll_factor = 8 : i64, sc.parallel_access}
      %dma_start3A_68 = arith.constant 8192 : i32
      %dma_start3A_69 = tpu.memref_slice %arg4[%add3A_28, %dma_start3A_68] : memref<1024x16384xf32, #tpu.memory_space<hbm>> -> memref<1x4096xf32, #tpu.memory_space<hbm>>
      %dma_start3A_70 = tpu.memref_squeeze %dma_start3A_69 : memref<1x4096xf32, #tpu.memory_space<hbm>> -> memref<4096xf32, #tpu.memory_space<hbm>>
      %dma_start3A_71 = arith.constant 8192 : i32
      %dma_start3A_72 = tpu.memref_slice %arg4[%add3A_28, %dma_start3A_71] : memref<1024x16384xf32, #tpu.memory_space<hbm>> -> memref<1x4096xf32, #tpu.memory_space<hbm>>
      %dma_start3A_73 = tpu.memref_squeeze %dma_start3A_72 : memref<1x4096xf32, #tpu.memory_space<hbm>> -> memref<4096xf32, #tpu.memory_space<hbm>>
      tpu.enqueue_dma source(%arg7 : memref<4096xf32, #tpu.memory_space<vmem>>) target(%dma_start3A_73 : memref<4096xf32, #tpu.memory_space<hbm>>) target_semaphore(%arg10 : memref<!tpu.dma_semaphore, #tpu.memory_space<semaphore_mem>>)
      %dma_wait3A_74 = arith.constant 0 : i32
      %dma_wait3A_75 = tpu.memref_slice %arg4[%add3A_28, %dma_wait3A_74] : memref<1024x16384xf32, #tpu.memory_space<hbm>> -> memref<1x4096xf32, #tpu.memory_space<hbm>>
      %dma_wait3A_76 = tpu.memref_squeeze %dma_wait3A_75 : memref<1x4096xf32, #tpu.memory_space<hbm>> -> memref<4096xf32, #tpu.memory_space<hbm>>
      %dma_wait3A_77 = arith.constant 0 : i32
      %dma_wait3A_78 = tpu.memref_slice %arg4[%add3A_28, %dma_wait3A_77] : memref<1024x16384xf32, #tpu.memory_space<hbm>> -> memref<1x4096xf32, #tpu.memory_space<hbm>>
      %dma_wait3A_79 = tpu.memref_squeeze %dma_wait3A_78 : memref<1x4096xf32, #tpu.memory_space<hbm>> -> memref<4096xf32, #tpu.memory_space<hbm>>
      tpu.wait_dma2 semaphore(%arg11 : memref<!tpu.dma_semaphore, #tpu.memory_space<semaphore_mem>>) src(%arg8 : memref<4096xf32, #tpu.memory_space<vmem>>) dst(%dma_wait3A_79 : memref<4096xf32, #tpu.memory_space<hbm>>)
      %parallel_loop3A_80 = arith.constant 0 : i32
      %parallel_loop3A_81 = arith.constant 4096 : i32
      %parallel_loop3A_82 = arith.constant 16 : i32
      scf.for %parallel_loop3A_93 = %parallel_loop3A_80 to %parallel_loop3A_81 step %parallel_loop3A_82  : i32 {
        %parallel_loop3A_94 = arith.constant 12288 : i32
        %parallel_loop3A_95 = arith.addi %parallel_loop3A_94, %parallel_loop3A_93 : i32
        %parallel_loop3A_96 = arith.index_cast %parallel_loop3A_95 : i32 to index
        %parallel_loop3A_97 = tpu.vector_load %arg5[%parallel_loop3A_96] {strides = array<i32>} : memref<16384xi32, #tpu.memory_space<vmem>>, vector<16xi32>,
        %parallel_loop3A_98 = tpu.vector_load_idx %arg6[%parallel_loop3A_97] : memref<100000xf32, #tpu.memory_space<vmem>>[vector<16xi32>], vector<16xf32>,
        %parallel_loop3A_99 = arith.index_cast %parallel_loop3A_93 : i32 to index
        %parallel_loop3A_100 = tpu.vector_load %arg8[%parallel_loop3A_99] {strides = array<i32>} : memref<4096xf32, #tpu.memory_space<vmem>>, vector<16xf32>,
        tpu.vector_store %arg8[%parallel_loop3A_99], %parallel_loop3A_98 {strides = array<i32>} : memref<4096xf32, #tpu.memory_space<vmem>>, vector<16xf32>,
      } {sc.loop_unroll_factor = 8 : i64, sc.parallel_access}
      %lt3A = arith.constant 31 : i32
      %lt3A_83 = arith.cmpi slt, %scan3A_27, %lt3A : i32
      %convert_element_type3A_84 = arith.extui %lt3A_83 : i1 to i32
      %cond3A_85 = arith.constant 0 : i32
      %cond3A_86 = arith.cmpi ne, %convert_element_type3A_84, %cond3A_85 : i32
      scf.if %cond3A_86 {
        %add3A_93 = arith.constant 1 : i32
        %add3A_94 = arith.addi %add3A_28, %add3A_93 : i32
        %dma_start3A_95 = arith.constant 0 : i32
        %dma_start3A_96 = tpu.memref_slice %arg2[%add3A_94, %dma_start3A_95] : memref<1024x100000xf32, #tpu.memory_space<hbm>> -> memref<1x100000xf32, #tpu.memory_space<hbm>>
        %dma_start3A_97 = tpu.memref_squeeze %dma_start3A_96 : memref<1x100000xf32, #tpu.memory_space<hbm>> -> memref<100000xf32, #tpu.memory_space<hbm>>
        %dma_start3A_98 = arith.constant 0 : i32
        %dma_start3A_99 = tpu.memref_slice %arg2[%add3A_94, %dma_start3A_98] : memref<1024x100000xf32, #tpu.memory_space<hbm>> -> memref<1x100000xf32, #tpu.memory_space<hbm>>
        %dma_start3A_100 = tpu.memref_squeeze %dma_start3A_99 : memref<1x100000xf32, #tpu.memory_space<hbm>> -> memref<100000xf32, #tpu.memory_space<hbm>>
        tpu.enqueue_dma source(%dma_start3A_100 : memref<100000xf32, #tpu.memory_space<hbm>>) target(%arg6 : memref<100000xf32, #tpu.memory_space<vmem>>) target_semaphore(%arg9 : memref<!tpu.dma_semaphore, #tpu.memory_space<semaphore_mem>>)
      } else {
      }
      %dma_start3A_87 = arith.constant 12288 : i32
      %dma_start3A_88 = tpu.memref_slice %arg4[%add3A_28, %dma_start3A_87] : memref<1024x16384xf32, #tpu.memory_space<hbm>> -> memref<1x4096xf32, #tpu.memory_space<hbm>>
      %dma_start3A_89 = tpu.memref_squeeze %dma_start3A_88 : memref<1x4096xf32, #tpu.memory_space<hbm>> -> memref<4096xf32, #tpu.memory_space<hbm>>
      %dma_start3A_90 = arith.constant 12288 : i32
      %dma_start3A_91 = tpu.memref_slice %arg4[%add3A_28, %dma_start3A_90] : memref<1024x16384xf32, #tpu.memory_space<hbm>> -> memref<1x4096xf32, #tpu.memory_space<hbm>>
      %dma_start3A_92 = tpu.memref_squeeze %dma_start3A_91 : memref<1x4096xf32, #tpu.memory_space<hbm>> -> memref<4096xf32, #tpu.memory_space<hbm>>
      tpu.enqueue_dma source(%arg8 : memref<4096xf32, #tpu.memory_space<vmem>>) target(%dma_start3A_92 : memref<4096xf32, #tpu.memory_space<hbm>>) target_semaphore(%arg11 : memref<!tpu.dma_semaphore, #tpu.memory_space<semaphore_mem>>)
    }
    %scan3A_12 = arith.constant 32 : i32
    %add3A_13 = arith.constant 32 : i32
    %add3A_14 = arith.addi %mul3A_2, %add3A_13 : i32
    %sub3A = arith.constant 1 : i32
    %sub3A_15 = arith.subi %add3A_14, %sub3A : i32
    %dma_wait3A = arith.constant 0 : i32
    %dma_wait3A_16 = tpu.memref_slice %arg4[%sub3A_15, %dma_wait3A] : memref<1024x16384xf32, #tpu.memory_space<hbm>> -> memref<1x4096xf32, #tpu.memory_space<hbm>>
    %dma_wait3A_17 = tpu.memref_squeeze %dma_wait3A_16 : memref<1x4096xf32, #tpu.memory_space<hbm>> -> memref<4096xf32, #tpu.memory_space<hbm>>
    %dma_wait3A_18 = arith.constant 0 : i32
    %dma_wait3A_19 = tpu.memref_slice %arg4[%sub3A_15, %dma_wait3A_18] : memref<1024x16384xf32, #tpu.memory_space<hbm>> -> memref<1x4096xf32, #tpu.memory_space<hbm>>
    %dma_wait3A_20 = tpu.memref_squeeze %dma_wait3A_19 : memref<1x4096xf32, #tpu.memory_space<hbm>> -> memref<4096xf32, #tpu.memory_space<hbm>>
    tpu.wait_dma2 semaphore(%arg10 : memref<!tpu.dma_semaphore, #tpu.memory_space<semaphore_mem>>) src(%arg7 : memref<4096xf32, #tpu.memory_space<vmem>>) dst(%dma_wait3A_20 : memref<4096xf32, #tpu.memory_space<hbm>>)
    %dma_wait3A_21 = arith.constant 0 : i32
    %dma_wait3A_22 = tpu.memref_slice %arg4[%sub3A_15, %dma_wait3A_21] : memref<1024x16384xf32, #tpu.memory_space<hbm>> -> memref<1x4096xf32, #tpu.memory_space<hbm>>
    %dma_wait3A_23 = tpu.memref_squeeze %dma_wait3A_22 : memref<1x4096xf32, #tpu.memory_space<hbm>> -> memref<4096xf32, #tpu.memory_space<hbm>>
    %dma_wait3A_24 = arith.constant 0 : i32
    %dma_wait3A_25 = tpu.memref_slice %arg4[%sub3A_15, %dma_wait3A_24] : memref<1024x16384xf32, #tpu.memory_space<hbm>> -> memref<1x4096xf32, #tpu.memory_space<hbm>>
    %dma_wait3A_26 = tpu.memref_squeeze %dma_wait3A_25 : memref<1x4096xf32, #tpu.memory_space<hbm>> -> memref<4096xf32, #tpu.memory_space<hbm>>
    tpu.wait_dma2 semaphore(%arg11 : memref<!tpu.dma_semaphore, #tpu.memory_space<semaphore_mem>>) src(%arg8 : memref<4096xf32, #tpu.memory_space<vmem>>) dst(%dma_wait3A_26 : memref<4096xf32, #tpu.memory_space<hbm>>)
    return
  }
}

</mosaic_0001>

<sc_bundles>
// kernel: kernel.3.cloned.1.call-start
scs
__scs_entry_jumppad:
0x0: {  	(pc) =	sbr.rel $0x88, $3  }
0x1: {  	(tag) =	ssettag $0x0;
	lr =	simm.s32 $0x1  }
0x2: {  	[smem:$0x3F9F] =	sst lr;
	_ =	strace $0xD0000000  }
0x3: {  	_ = 	snop  }
0x4: {  	_ = 	snop  }
0x5: {  	_ = 	snop  }
0x6: {  	_ = 	snop  }
0x7: {  	_ = 	snop  }
__scs_overlays_trampoline_lowered:
0x8: {  	[smem:$0x3FAE] =	sst s0  }
0x9: {  	[smem:$0x3FAF] =	sst s1  }
0xa: {  	[smem:$0x3FB0] =	sst s2  }
0xb: {  	[smem:$0x3FB1] =	sst s3  }
0xc: {  	[smem:$0x3FB2] =	sst s4  }
0xd: {  	[smem:$0x3FB3] =	sst s5  }
0xe: {  	[smem:$0x3FB4] =	sst s6  }
0xf: {  	[smem:$0x3FB5] =	sst s7  }
0x10: {  	[smem:$0x3FB6] =	sst s8  }
0x11: {  	[smem:$0x3FB7] =	sst s9;
	s0 =	simm.s32 @!p0 $0x0  }
0x12: {  	s1 =	sld [smem:$0x3F9D];
	s0 =	simm.s32 @p0 $0x1  }
0x13: {  	[smem:$0x3FB8] =	sst s0;
	s0 =	simm.s32 @!p1 $0x0  }
0x14: {  	s2 =	sld [smem:$0x3F9C];
	s0 =	simm.s32 @p1 $0x1  }
0x15: {  	[smem:$0x3FB9] =	sst s0;
	s0 =	simm.s32 @!p2 $0x0  }
0x16: {  	s3 =	sld [smem:$0x3FDB];
	s0 =	simm.s32 @p2 $0x1  }
0x17: {  	s4 =	simm.s32 $0x1BF5;
	[smem:$0x3FBB] =	sst s0  }
0x18: {  	s0 =	sld [smem:$0x3F9E];
	_ =	swait.ge [sflag:s4], $0x0  }
0x19: {  	s7 =	sld [smem:$0x3F9F]  }
0x1a: {  	s8 =	sadd.s32 $0xFFFFE003, lr  }
0x1b: {  	s9 =	sadd.s32 $0xFFFFFEF7, lr;
	s5 =	simm.s32 $0xFFFFFFFF;
	p2 =	slt.u32 s8, $0xFFFFF086  }
0x1c: {  	p1 =	slt.u32 s9, $0xF7A;
	s5 =	simm.s32 @!p2 $0x0  }
0x1d: {  	s5 =	simm.s32 @p1 $0x1;
	p0 =	seq.s32 s7, s2  }
0x1e: {  	s7 =	smul.u32 @!p0 $0xF7A, s2;
	p2 =	seq.s32 @!p0 s5, $0x0  }
0x1f: {  	s9 =	smul.u32 $0xF7A, s1;
	s8 =	simm.s32 @!p0 $0x1BF5;
	p2 =	por !p2, p0  }
0x20: {  	[sflag:s8] =	ssyncset.s32 @!p0 $0xFFFFF086;
	s6 =	sadd.s32 @!p0 s3, s7;
	s7 =	simm.s32 @!p0 $0x108  }
0x21: {  	s3 =	sadd.s32 s3, s9;
	s6 =	sadd.s32 @!p0 $0x88, s6;
	s7 =	simm.s32 @p2 $0x1082  }
0x22: {  	[simem:s7], [sflag:s8] =	dma.local @!p0 [hbm:s6], $0xF7A  }
0x23: {  	s9 =	sor.u32 $0xD0000000, s2;
	s6 =	simm.s32 $0x108;
	_ =	swait.ge @!p0 [sflag:s8], $0x0  }
0x24: {  	s3 =	sadd.s32 $0x88, s3;
	s6 =	simm.s32 @!p1 $0x1082;
	[sflag:s4] =	ssyncset.s32 $0xFFFFF086  }
0x25: {  	[simem:s6], [sflag:s4] =	dma.local [hbm:s3], $0xF7A  }
0x26: {  	[smem:$0x3F9F] =	sst s1;
	(tag) =	ssettag s2;
	_ =	strace s9  }
0x27: {  	s1 =	sld [smem:$0x3FAF]  }
0x28: {  	s2 =	sld [smem:$0x3FB0]  }
0x29: {  	s4 =	sld [smem:$0x3FB2]  }
0x2a: {  	p0 =	seq.s32 s5, $0x0;
	s5 =	sld [smem:$0x3FB3]  }
0x2b: {  	s6 =	sld [smem:$0x3FB4]  }
0x2c: {  	s7 =	sld [smem:$0x3FB5]  }
0x2d: {  	s3 =	simm.s32 $0x108;
	s8 =	sld [smem:$0x3FB6]  }
0x2e: {  	s3 =	simm.s32 @!p0 $0x1082;
	s9 =	sld [smem:$0x3FB7]  }
0x2f: {  	lr =	sadd.s32 s0, s3;
	s0 =	sld [smem:$0x3FAE]  }
0x30: {  	s3 =	sld [smem:$0x3FB1]  }
0x31: {  	[smem:$0x3FBA] =	sst s10  }
0x32: {  	s10 =	sld [smem:$0x3FB8];
	_ =	sdelay $0x3  }
0x33: {  	p0 =	seq.s32 s10, $0x1;
	s10 =	sld [smem:$0x3FBA];
	_ =	sdelay $0x3  }
0x34: {  	[smem:$0x3FBA] =	sst s10  }
0x35: {  	s10 =	sld [smem:$0x3FB9];
	_ =	sdelay $0x3  }
0x36: {  	p1 =	seq.s32 s10, $0x1;
	s10 =	sld [smem:$0x3FBA];
	_ =	sdelay $0x3  }
0x37: {  	[smem:$0x3FBA] =	sst s10  }
0x38: {  	s10 =	sld [smem:$0x3FBB]  }
0x39: {  	_ = 	snop;
	(pc) =	sbr.ind lr, $3  }
0x3a: {  	_ = 	snop  }
0x3b: {  	_ = 	snop  }
0x3c: {  	p2 =	seq.s32 s10, $0x1;
	s10 =	sld [smem:$0x3FBA]  }
0x3d: {  	_ =	shalt  }
0x3e: {  	_ =	shalt  }
0x3f: {  	_ =	shalt  }
0x40: {  	_ =	shalt  }
0x41: {  	_ =	shalt  }
0x42: {  	_ =	shalt  }
0x43: {  	_ =	shalt  }
0x44: {  	_ =	shalt  }
0x45: {  	_ =	shalt  }
0x46: {  	_ =	shalt  }
0x47: {  	_ =	shalt  }
0x48: {  	_ =	shalt  }
0x49: {  	_ =	shalt  }
0x4a: {  	_ =	shalt  }
0x4b: {  	_ =	shalt  }
0x4c: {  	_ =	shalt  }
0x4d: {  	_ =	shalt  }
0x4e: {  	_ =	shalt  }
0x4f: {  	_ =	shalt  }
0x50: {  	_ =	shalt  }
0x51: {  	_ =	shalt  }
0x52: {  	_ =	shalt  }
0x53: {  	_ =	shalt  }
0x54: {  	_ =	shalt  }
0x55: {  	_ =	shalt  }
0x56: {  	_ =	shalt  }
0x57: {  	_ =	shalt  }
0x58: {  	_ =	shalt  }
0x59: {  	_ =	shalt  }
0x5a: {  	_ =	shalt  }
0x5b: {  	_ =	shalt  }
0x5c: {  	_ =	shalt  }
0x5d: {  	_ =	shalt  }
0x5e: {  	_ =	shalt  }
0x5f: {  	_ =	shalt  }
0x60: {  	_ =	shalt  }
0x61: {  	_ =	shalt  }
0x62: {  	_ =	shalt  }
0x63: {  	_ =	shalt  }
0x64: {  	_ =	shalt  }
0x65: {  	_ =	shalt  }
0x66: {  	_ =	shalt  }
0x67: {  	_ =	shalt  }
0x68: {  	_ =	shalt  }
0x69: {  	_ =	shalt  }
0x6a: {  	_ =	shalt  }
0x6b: {  	_ =	shalt  }
0x6c: {  	_ =	shalt  }
0x6d: {  	_ =	shalt  }
0x6e: {  	_ =	shalt  }
0x6f: {  	_ =	shalt  }
0x70: {  	_ =	shalt  }
0x71: {  	_ =	shalt  }
0x72: {  	_ =	shalt  }
0x73: {  	_ =	shalt  }
0x74: {  	_ =	shalt  }
0x75: {  	_ =	shalt  }
0x76: {  	_ =	shalt  }
0x77: {  	_ =	shalt  }
0x78: {  	_ =	shalt  }
0x79: {  	_ =	shalt  }
0x7a: {  	_ =	shalt  }
0x7b: {  	_ =	shalt  }
0x7c: {  	_ =	shalt  }
0x7d: {  	_ =	shalt  }
0x7e: {  	_ =	shalt  }
0x7f: {  	_ =	shalt  }
0x80: {  	_ =	shalt  }
0x81: {  	_ =	shalt  }
0x82: {  	_ =	shalt  }
0x83: {  	_ =	shalt  }
0x84: {  	_ =	shalt  }
0x85: {  	_ =	shalt  }
0x86: {  	_ =	shalt  }
0x87: {  	_ =	shalt  }
.Lfunc_end0:
.L_simem_size_0:
called_computation_lowered:
.L_overlay_start_0:
0x88: {  	s2 =	sld [smem:$0x3FD9]  }
0x89: {  	s3 =	sld [smem:$0x3FFE];
	_ =	sdelay $0x1  }
0x8a: {  	s1 =	srdreg.scid  }
0x8b: {  	s0 =	sand.u32 $0x1, s1  }
0x8c: {  	s17 =	sshll.u32 s0, $0xA;
	s2 =	sadd.s32 s3, s2  }
0x8d: {  	s2 =	sadd.s32 s2, s17  }
0x8e: {  	[smem:$0x3FC6] =	sst s2  }
0x8f: {  	_ = 	snop  }
0x90: {  	s2 =	sld [smem:$0x3FC8]  }
0x91: {  	s18 =	sld [smem:$0x3FD0];
	(tm) =	ssettm $0x1  }
0x92: {  	s4 =	sld [smem:$0x3FFB];
	_ =	sdelay $0x3  }
0x93: {  	_ =	strace s4  }
0x94: {  	s4 =	sld [smem:$0x3FFC];
	_ =	sdelay $0x3  }
0x95: {  	_ =	strace s4  }
0x96: {  	s4 =	sld [smem:$0x3FFD];
	_ =	sdelay $0x3  }
0x97: {  	_ =	strace s4  }
0x98: {  	_ =	strace $0x8FFFFFFF  }
0x99: {  	s19 =	sld [smem:$0x3FDB];
	_ =	sdelay $0x1  }
0x9a: {  	s5 =	simm.s32 $_scs_section_size  }
0x9b: {  	s6 =	simm.s32 $_size__tile_overlayer_lowered;
	s7 =	simm.s32 $_tile_overlayer_lowered  }
0x9c: {  	s22 =	simm.s32 $0x1BFF;
	s21 =	sshll.u32 s7, $0x1;
	s4 =	sadd.s32 s5, s19  }
0x9d: {  	s8 =	simm.s32 $0x0;
	s20 =	sshll.u32 s6, $0x1;
	s6 =	sadd.s32 s21, s4  }
0x9e: {  	[timem:s8], [sflag:s22] =	dma.local [hbm:s6], s20  }
0x9f: {  	_ =	swait.ge [sflag:s22], s20  }
0xa0: {  	s5 =	ssub.s32 $0x0, s20;
	[sflag:s22] =	ssyncset.done $0x0  }
0xa1: {  	[sflag:s22] =	ssyncadd.s32 s5;
	_ =	sdelay $0x1  }
0xa2: {  	s23 =	simm.s32 $0x1B8B  }
0xa3: {  	_ =	swait.ge [sflag:s23], $0x1  }
0xa4: {  	[sflag:s23] =	ssyncset.done $0x0  }
0xa5: {  	s25 =	simm.s32 $0x1B8E;
	s24 =	sld [smem:$0x3FFE];
	[sflag:s23] =	ssyncadd.s32 $0xFFFFFFFF  }
0xa6: {  	s26 =	simm.s32 $execute0_lowered;
	[smem:$0x3FD2] =	sst s25  }
0xa7: {  	s6 =	sshll.u32 s26, $0x1;
	_ =	strace $0x80000046;
	[dreg:$0x1] =	wrdreg $0xFFFFFFFF  }
0xa8: {  	s28 =	simm.s32 $_size_execute0_lowered;
	s4 =	sadd.s32 s4, s6;
	[dreg:$0x0] =	wrdreg $0x0  }
0xa9: {  	s6 =	sshll.u32 s28, $0x1;
	[dreg:$0x2] =	wrdreg s4  }
0xaa: {  	[dreg:$0x3] =	wrdreg s6  }
0xab: {  	[dreg:$0x4] =	wrdreg $0xC0  }
0xac: {  	_ =	task [dreg:s8], $0x5FFFF  }
0xad: {  	[dreg:$0x1] =	wrdreg $0xFFFFFFFF  }
0xae: {  	[dreg:$0x0] =	wrdreg $0x60  }
0xaf: {  	[dreg:$0x2] =	wrdreg s24  }
0xb0: {  	[dreg:$0x3] =	wrdreg s2  }
0xb1: {  	[dreg:$0x4] =	wrdreg s18  }
0xb2: {  	[dreg:$0x5] =	wrdreg $0x9  }
0xb3: {  	_ =	task.clear_ibuf [dreg:s8], $0x6FFFF;
	_ =	strace $0x90000046  }
0xb4: {  	s29 =	simm.s32 $0x9;
	_ =	strace $0x80000048  }
0xb5: {  	_ =	swait.ge [sflag:s29], $0x1  }
0xb6: {  	[sflag:s29] =	ssyncadd.s32 $0xFFFFFFFF  }
0xb7: {  	_ =	strace $0x90000048  }
0xb8: {  	_ =	sfence  }
0xb9: {  	s30 =	sld [smem:$0x0];
	_ =	sdelay $0x2  }
0xba: {  	s31 =	sshll.u32 s1, $0xD;
	s1 =	sshrl.u32 s1, $0x2  }
0xbb: {  	s3 =	sand.u32 $0x4000, s31;
	s1 =	sadd.s32 s1, s30  }
0xbc: {  	s0 =	sor.u32 s3, s0;
	s1 =	sshll.u32 s1, $0x11  }
0xbd: {  	s0 =	sor.u32 s1, s0  }
0xbe: {  	s0 =	sadd.s32 $0x8F2B, s0  }
0xbf: {  	[sflag:s0] =	ssyncadd.remote.s32 $0x1  }
0xc0: {  	_ =	sfence.sel $0xFFFF  }
0xc1: {  	[dreg:$0x0] =	wrdreg $0xFFFFFFFF;
	(pc) =	sbr.abs _section_cstart, $3  }
0xc2: {  	[dreg:$0x1] =	wrdreg $0xFFFFFFFF  }
0xc3: {  	_ =	task.clear_ibuf [dreg:s8], $0x2FFFF;
	_ =	strace $0x9FFFFFFF  }
0xc4: {  	(tm) =	ssettm $0x7FFFFFFF  }
0xc5: {  	_ =	shalt  }
tec
execute0_lowered:
.L_overlay_start_1:
0x0: {  	(tag) =	ssettag $0x1  }
0x1: {  	s6 =	rddreg [dreg:$0x0];
	s1 =	srdreg.scid  }
0x2: {  	s2 =	rddreg [dreg:$0x1];
	s0 =	stileid.u32  }
0x3: {  	s3 =	rddreg [dreg:$0x2];
	s12 =	simm.s32 $0x4;
	s13 =	simm.s32 $0x80  }
0x4: {  	s14 =	simm.s32 $0x400;
	s15 =	simm.s32 $0x4000;
	s16 =	simm.s32 $0x1  }
0x5: {  	s17 =	simm.s32 $0x1C700;
	s18 =	simm.s32 $0x1D700;
	s19 =	simm.s32 $0x2  }
0x6: {  	s20 =	simm.s32 $0x3;
	s21 =	simm.s32 $0x0;
	s7 =	sand.u32 $0x1, s1  }
0x7: {  	s4 =	sshll.u32 s0, $0x6;
	s1 =	rddreg [dreg:$0x3];
	s5 =	sshll.u32 s7, $0x5  }
0x8: {  	s6 =	sadd.s32 $0x400, s6;
	s10 =	sadd.s32 $0x3000, s3;
	s4 =	sor.u32 s5, s4  }
0x9: {  	s7 =	ssub.s32 $0x2, s7;
	s5 =	simm.s32 $0x0;
	s8 =	sshrl.u32 s4, $0x3  }
0xa: {  	s9 =	sshrl.u32 s7, $0x1;
	[smem:$0x7FF] =	sst s5;
	s8 =	smul.u32 $0x18700, s8  }
0xb: {  	s11 =	ssub.s32 s7, s9;
	s9 =	sadd.s32 $0x2000, s3;
	_ =	strace $0x80000047  }
0xc: {  	s11 =	smax.u32 s11, $0x1;
	s7 =	sadd.s32 s6, s8;
	s8 =	sadd.s32 $0x1000, s3  }
.LBB2_1:
0xd: {  	[tilespmem:s5], [sflag:$0x4] =	stream.linear.gather [hbm4b:s2+s5], $0x4000, $0x38;
	[tilespmem:$0x1E700] =	vst v63  }
0xe: {  	_ =	swait.ge [sflag:s12], $0x4000  }
0xf: {  	[sflag:s12] =	ssyncset.done $0x0  }
0x10: {  	s22 =	simm.s32 $0x0;
	[sflag:s12] =	ssyncadd.s32 $0xFFFFC000  }
0x11: {  	[tilespmem:s15], [sflag:$0x1] =	stream.strided.gather [hbm4b:s7+s13], $0x18700, s14, s13, $0x38;
	[tilespmem:$0x1E700] =	vst v63  }
.LBB2_2:
0x12: {  	_ =	swait.ge [sflag:s16], $0x18700  }
0x13: {  	p0 =	seq.s32 s22, $0x0;
	[sflag:s16] =	ssyncset.done $0x0  }
0x14: {  	s23 =	simm.s32 @!p0 $0x2;
	[sflag:s16] =	ssyncadd.s32 $0xFFFE7900  }
0x15: {  	_ =	swait.ge @!p0 [sflag:s23], $0x1000  }
0x16: {  	[sflag:s23] =	ssyncset.done @!p0 $0x0  }
0x17: {  	s31 =	simm.s32 $0x40;
	[sflag:s23] =	ssyncadd.s32 @!p0 $0xFFFFF000  }
0x18: {  	v0 =	vld [tilespmem:s31+$0x30]  }
0x19: {  	v1 =	vld [tilespmem:s31+$0xFFFFFFD0]  }
0x1a: {  	v2 =	vld [tilespmem:s31+$0xFFFFFFE0]  }
0x1b: {  	v3 =	vld [tilespmem:s31+$0xFFFFFFF0]  }
0x1c: {  	v4 =	vld [tilespmem:s31+$0x0]  }
0x1d: {  	v6 =	vld [tilespmem:s31+$0x10]  }
0x1e: {  	v7 =	vld [tilespmem:s31+$0x20]  }
0x1f: {  	v8 =	vld [tilespmem:s31+$0xFFFFFFC0]  }
0x20: {  	v9 =	vld.idx.msk [tilespmem:v0+s15+$0x0], $0xffff  }
0x21: {  	v10 =	vld.idx.msk [tilespmem:v1+s15+$0x0], $0xffff  }
0x22: {  	v5 =	vld.idx.msk [tilespmem:v2+s15+$0x0], $0xffff  }
0x23: {  	v3 =	vld.idx.msk [tilespmem:v3+s15+$0x0], $0xffff  }
0x24: {  	v1 =	vld.idx.msk [tilespmem:v4+s15+$0x0], $0xffff  }
0x25: {  	s25 =	simm.s32 $0x1C740;
	v0 =	vld.idx.msk [tilespmem:v6+s15+$0x0], $0xffff  }
0x26: {  	s24 =	sshll.u32 s22, $0x4;
	s26 =	simm.s32 $0x0;
	v2 =	vld.idx.msk [tilespmem:v7+s15+$0x0], $0xffff;
	[tilespmem:s25+$0x30] =	vst v9  }
0x27: {  	s28 =	simm.s32 $0xC0;
	s24 =	sand.u32 $0x70, s24;
	s23 =	sor.u32 s4, s22;
	v4 =	vld.idx.msk [tilespmem:v8+s15+$0x0], $0xffff;
	[tilespmem:s25+$0xFFFFFFD0] =	vst v10  }
.LBB2_3:
0x28: {  	v6 =	vld [tilespmem:s28+$0x30];
	s26 =	sadd.s32 $0x80, s26;
	[tilespmem:s25+$0xFFFFFFE0] =	vst v5  }
0x29: {  	v5 =	vld [tilespmem:s28+$0xFFFFFFD0];
	p1 =	slt.u32 s26, $0xF80;
	[tilespmem:s25+$0xFFFFFFF0] =	vst v3  }
0x2a: {  	v3 =	vld [tilespmem:s28+$0xFFFFFFE0];
	[tilespmem:s25+$0x0] =	vst v1  }
0x2b: {  	v1 =	vld [tilespmem:s28+$0xFFFFFFF0];
	[tilespmem:s25+$0x10] =	vst v0  }
0x2c: {  	v0 =	vld [tilespmem:s28+$0x0];
	[tilespmem:s25+$0x20] =	vst v2  }
0x2d: {  	v2 =	vld [tilespmem:s28+$0x10];
	[tilespmem:s25+$0xFFFFFFC0] =	vst v4  }
0x2e: {  	v4 =	vld [tilespmem:s28+$0x20]  }
0x2f: {  	v7 =	vld [tilespmem:s28+$0xFFFFFFC0]  }
0x30: {  	v6 =	vld.idx.msk [tilespmem:v6+s15+$0x0], $0xffff  }
0x31: {  	v8 =	vld.idx.msk [tilespmem:v5+s15+$0x0], $0xffff  }
0x32: {  	v5 =	vld.idx.msk [tilespmem:v3+s15+$0x0], $0xffff  }
.Ltmp0:
0x33: {  	v3 =	vld.idx.msk [tilespmem:v1+s15+$0x0], $0xffff;
	(pc) =	sbr.rel @p1 .LBB2_3-.Ltmp0, $4  }
0x34: {  	v1 =	vld.idx.msk [tilespmem:v0+s15+$0x0], $0xffff  }
0x35: {  	s25 =	sadd.s32 $0x80, s25;
	v0 =	vld.idx.msk [tilespmem:v2+s15+$0x0], $0xffff  }
0x36: {  	v2 =	vld.idx.msk [tilespmem:v4+s15+$0x0], $0xffff;
	[tilespmem:s25+$0x30] =	vst v6  }
0x37: {  	s28 =	sadd.s32 $0x80, s28;
	v4 =	vld.idx.msk [tilespmem:v7+s15+$0x0], $0xffff;
	[tilespmem:s25+$0xFFFFFFD0] =	vst v8  }
0x38: {  	[tilespmem:s25+$0xFFFFFFE0] =	vst v5  }
0x39: {  	[tilespmem:s25+$0xFFFFFFF0] =	vst v3  }
0x3a: {  	s26 =	sshll.u32 s23, $0xB;
	[tilespmem:s25+$0x0] =	vst v1  }
0x3b: {  	s26 =	sand.u32 $0x1FC000, s26;
	[tilespmem:s25+$0x10] =	vst v0  }
0x3c: {  	s24 =	sor.u32 s24, s26;
	[tilespmem:s25+$0x20] =	vst v2  }
0x3d: {  	s30 =	sadd.s32 s3, s24;
	[tilespmem:s25+$0xFFFFFFC0] =	vst v4;
	s25 =	simm.s32 @!p0 $0x3  }
0x3e: {  	[hbm4b:s30+s13] =	stream.strided.scatter [tilespmem:s17], [sflag:$0x2], $0x1000, s14, s13, $0x38;
	[tilespmem:$0x1E700] =	vst v63  }
0x3f: {  	_ =	swait.ge @!p0 [sflag:s25], $0x1000  }
0x40: {  	[sflag:s25] =	ssyncset.done @!p0 $0x0  }
0x41: {  	s31 =	simm.s32 $0x1070;
	[sflag:s25] =	ssyncadd.s32 @!p0 $0xFFFFF000  }
0x42: {  	v0 =	vld [tilespmem:s31+$0x0]  }
0x43: {  	v1 =	vld [tilespmem:s31+$0xFFFFFFA0]  }
0x44: {  	v2 =	vld [tilespmem:s31+$0xFFFFFFB0]  }
0x45: {  	v3 =	vld [tilespmem:s31+$0xFFFFFFC0]  }
0x46: {  	v4 =	vld [tilespmem:s31+$0xFFFFFFD0]  }
0x47: {  	v6 =	vld [tilespmem:s31+$0xFFFFFFE0]  }
0x48: {  	v7 =	vld [tilespmem:s31+$0xFFFFFFF0]  }
0x49: {  	v8 =	vld [tilespmem:s31+$0xFFFFFF90]  }
0x4a: {  	v9 =	vld.idx.msk [tilespmem:v0+s15+$0x0], $0xffff  }
0x4b: {  	v10 =	vld.idx.msk [tilespmem:v1+s15+$0x0], $0xffff  }
0x4c: {  	v5 =	vld.idx.msk [tilespmem:v2+s15+$0x0], $0xffff  }
0x4d: {  	v3 =	vld.idx.msk [tilespmem:v3+s15+$0x0], $0xffff  }
0x4e: {  	v0 =	vld.idx.msk [tilespmem:v4+s15+$0x0], $0xffff  }
0x4f: {  	s25 =	simm.s32 $0x1D740;
	v1 =	vld.idx.msk [tilespmem:v6+s15+$0x0], $0xffff  }
0x50: {  	v2 =	vld.idx.msk [tilespmem:v7+s15+$0x0], $0xffff;
	[tilespmem:s25+$0x30] =	vst v9  }
0x51: {  	s28 =	simm.s32 $0x10F0;
	s26 =	simm.s32 $0x0;
	v4 =	vld.idx.msk [tilespmem:v8+s15+$0x0], $0xffff;
	[tilespmem:s25+$0xFFFFFFD0] =	vst v10  }
.LBB2_5:
0x52: {  	v6 =	vld [tilespmem:s28+$0x0];
	s26 =	sadd.s32 $0x80, s26;
	[tilespmem:s25+$0xFFFFFFE0] =	vst v5  }
0x53: {  	v5 =	vld [tilespmem:s28+$0xFFFFFFA0];
	p0 =	slt.u32 s26, $0xF80;
	[tilespmem:s25+$0xFFFFFFF0] =	vst v3  }
0x54: {  	v3 =	vld [tilespmem:s28+$0xFFFFFFB0];
	[tilespmem:s25+$0x0] =	vst v0  }
0x55: {  	v0 =	vld [tilespmem:s28+$0xFFFFFFC0];
	[tilespmem:s25+$0x10] =	vst v1  }
0x56: {  	v1 =	vld [tilespmem:s28+$0xFFFFFFD0];
	[tilespmem:s25+$0x20] =	vst v2  }
0x57: {  	v2 =	vld [tilespmem:s28+$0xFFFFFFE0];
	[tilespmem:s25+$0xFFFFFFC0] =	vst v4  }
0x58: {  	v4 =	vld [tilespmem:s28+$0xFFFFFFF0]  }
0x59: {  	v7 =	vld [tilespmem:s28+$0xFFFFFF90]  }
0x5a: {  	v6 =	vld.idx.msk [tilespmem:v6+s15+$0x0], $0xffff  }
0x5b: {  	v8 =	vld.idx.msk [tilespmem:v5+s15+$0x0], $0xffff  }
0x5c: {  	v5 =	vld.idx.msk [tilespmem:v3+s15+$0x0], $0xffff  }
.Ltmp1:
0x5d: {  	v3 =	vld.idx.msk [tilespmem:v0+s15+$0x0], $0xffff;
	(pc) =	sbr.rel @p0 .LBB2_5-.Ltmp1, $4  }
0x5e: {  	v0 =	vld.idx.msk [tilespmem:v1+s15+$0x0], $0xffff  }
0x5f: {  	s25 =	sadd.s32 $0x80, s25;
	v1 =	vld.idx.msk [tilespmem:v2+s15+$0x0], $0xffff  }
0x60: {  	v2 =	vld.idx.msk [tilespmem:v4+s15+$0x0], $0xffff;
	[tilespmem:s25+$0x30] =	vst v6  }
0x61: {  	s28 =	sadd.s32 $0x80, s28;
	v4 =	vld.idx.msk [tilespmem:v7+s15+$0x0], $0xffff;
	[tilespmem:s25+$0xFFFFFFD0] =	vst v8  }
0x62: {  	[tilespmem:s25+$0xFFFFFFE0] =	vst v5  }
0x63: {  	[tilespmem:s25+$0xFFFFFFF0] =	vst v3  }
0x64: {  	[tilespmem:s25+$0x0] =	vst v0  }
0x65: {  	[tilespmem:s25+$0x10] =	vst v1  }
0x66: {  	[tilespmem:s25+$0x20] =	vst v2  }
0x67: {  	s30 =	sadd.s32 s24, s8;
	[tilespmem:s25+$0xFFFFFFC0] =	vst v4  }
0x68: {  	[hbm4b:s30+s13] =	stream.strided.scatter [tilespmem:s18], [sflag:$0x3], $0x1000, s14, s13, $0x38;
	[tilespmem:$0x1E700] =	vst v63  }
0x69: {  	_ =	swait.ge [sflag:s19], $0x1000  }
0x6a: {  	[sflag:s19] =	ssyncset.done $0x0  }
0x6b: {  	s31 =	simm.s32 $0x2070;
	[sflag:s19] =	ssyncadd.s32 $0xFFFFF000  }
0x6c: {  	v0 =	vld [tilespmem:s31+$0x0]  }
0x6d: {  	v1 =	vld [tilespmem:s31+$0xFFFFFFA0]  }
0x6e: {  	v2 =	vld [tilespmem:s31+$0xFFFFFFB0]  }
0x6f: {  	v3 =	vld [tilespmem:s31+$0xFFFFFFC0]  }
0x70: {  	v4 =	vld [tilespmem:s31+$0xFFFFFFD0]  }
0x71: {  	v6 =	vld [tilespmem:s31+$0xFFFFFFE0]  }
0x72: {  	v7 =	vld [tilespmem:s31+$0xFFFFFFF0]  }
0x73: {  	v8 =	vld [tilespmem:s31+$0xFFFFFF90]  }
0x74: {  	v9 =	vld.idx.msk [tilespmem:v0+s15+$0x0], $0xffff  }
0x75: {  	v10 =	vld.idx.msk [tilespmem:v1+s15+$0x0], $0xffff  }
0x76: {  	v5 =	vld.idx.msk [tilespmem:v2+s15+$0x0], $0xffff  }
0x77: {  	v3 =	vld.idx.msk [tilespmem:v3+s15+$0x0], $0xffff  }
0x78: {  	v0 =	vld.idx.msk [tilespmem:v4+s15+$0x0], $0xffff  }
0x79: {  	s25 =	simm.s32 $0x1C740;
	v1 =	vld.idx.msk [tilespmem:v6+s15+$0x0], $0xffff  }
0x7a: {  	v2 =	vld.idx.msk [tilespmem:v7+s15+$0x0], $0xffff;
	[tilespmem:s25+$0x30] =	vst v9  }
0x7b: {  	s26 =	simm.s32 $0x0;
	s28 =	simm.s32 $0x20F0;
	v4 =	vld.idx.msk [tilespmem:v8+s15+$0x0], $0xffff;
	[tilespmem:s25+$0xFFFFFFD0] =	vst v10  }
.LBB2_7:
0x7c: {  	v6 =	vld [tilespmem:s28+$0x0];
	s26 =	sadd.s32 $0x80, s26;
	[tilespmem:s25+$0xFFFFFFE0] =	vst v5  }
0x7d: {  	v5 =	vld [tilespmem:s28+$0xFFFFFFA0];
	p0 =	slt.u32 s26, $0xF80;
	[tilespmem:s25+$0xFFFFFFF0] =	vst v3  }
0x7e: {  	v3 =	vld [tilespmem:s28+$0xFFFFFFB0];
	[tilespmem:s25+$0x0] =	vst v0  }
0x7f: {  	v0 =	vld [tilespmem:s28+$0xFFFFFFC0];
	[tilespmem:s25+$0x10] =	vst v1  }
0x80: {  	v1 =	vld [tilespmem:s28+$0xFFFFFFD0];
	[tilespmem:s25+$0x20] =	vst v2  }
0x81: {  	v2 =	vld [tilespmem:s28+$0xFFFFFFE0];
	[tilespmem:s25+$0xFFFFFFC0] =	vst v4  }
0x82: {  	v4 =	vld [tilespmem:s28+$0xFFFFFFF0]  }
0x83: {  	v7 =	vld [tilespmem:s28+$0xFFFFFF90]  }
0x84: {  	v6 =	vld.idx.msk [tilespmem:v6+s15+$0x0], $0xffff  }
0x85: {  	v8 =	vld.idx.msk [tilespmem:v5+s15+$0x0], $0xffff  }
0x86: {  	v5 =	vld.idx.msk [tilespmem:v3+s15+$0x0], $0xffff  }
.Ltmp2:
0x87: {  	v3 =	vld.idx.msk [tilespmem:v0+s15+$0x0], $0xffff;
	(pc) =	sbr.rel @p0 .LBB2_7-.Ltmp2, $4  }
0x88: {  	v0 =	vld.idx.msk [tilespmem:v1+s15+$0x0], $0xffff  }
0x89: {  	s25 =	sadd.s32 $0x80, s25;
	v1 =	vld.idx.msk [tilespmem:v2+s15+$0x0], $0xffff  }
0x8a: {  	v2 =	vld.idx.msk [tilespmem:v4+s15+$0x0], $0xffff;
	[tilespmem:s25+$0x30] =	vst v6  }
0x8b: {  	s28 =	sadd.s32 $0x80, s28;
	v4 =	vld.idx.msk [tilespmem:v7+s15+$0x0], $0xffff;
	[tilespmem:s25+$0xFFFFFFD0] =	vst v8  }
0x8c: {  	[tilespmem:s25+$0xFFFFFFE0] =	vst v5  }
0x8d: {  	[tilespmem:s25+$0xFFFFFFF0] =	vst v3  }
0x8e: {  	[tilespmem:s25+$0x0] =	vst v0  }
0x8f: {  	[tilespmem:s25+$0x10] =	vst v1  }
0x90: {  	[tilespmem:s25+$0x20] =	vst v2  }
0x91: {  	s30 =	sadd.s32 s24, s9;
	[tilespmem:s25+$0xFFFFFFC0] =	vst v4  }
0x92: {  	[hbm4b:s30+s13] =	stream.strided.scatter [tilespmem:s17], [sflag:$0x2], $0x1000, s14, s13, $0x38;
	[tilespmem:$0x1E700] =	vst v63  }
0x93: {  	_ =	swait.ge [sflag:s20], $0x1000  }
0x94: {  	[sflag:s20] =	ssyncset.done $0x0  }
0x95: {  	s31 =	simm.s32 $0x3070;
	[sflag:s20] =	ssyncadd.s32 $0xFFFFF000  }
0x96: {  	v0 =	vld [tilespmem:s31+$0x0]  }
0x97: {  	v1 =	vld [tilespmem:s31+$0xFFFFFFA0]  }
0x98: {  	v2 =	vld [tilespmem:s31+$0xFFFFFFB0]  }
0x99: {  	v3 =	vld [tilespmem:s31+$0xFFFFFFC0]  }
0x9a: {  	v6 =	vld [tilespmem:s31+$0xFFFFFFD0]  }
0x9b: {  	v7 =	vld [tilespmem:s31+$0xFFFFFFE0]  }
0x9c: {  	v8 =	vld [tilespmem:s31+$0xFFFFFFF0]  }
0x9d: {  	v9 =	vld [tilespmem:s31+$0xFFFFFF90]  }
0x9e: {  	v10 =	vld.idx.msk [tilespmem:v0+s15+$0x0], $0xffff  }
0x9f: {  	v11 =	vld.idx.msk [tilespmem:v1+s15+$0x0], $0xffff  }
0xa0: {  	v5 =	vld.idx.msk [tilespmem:v2+s15+$0x0], $0xffff  }
0xa1: {  	v4 =	vld.idx.msk [tilespmem:v3+s15+$0x0], $0xffff  }
0xa2: {  	v3 =	vld.idx.msk [tilespmem:v6+s15+$0x0], $0xffff  }
0xa3: {  	s25 =	simm.s32 $0x1D740;
	v1 =	vld.idx.msk [tilespmem:v7+s15+$0x0], $0xffff  }
0xa4: {  	v0 =	vld.idx.msk [tilespmem:v8+s15+$0x0], $0xffff;
	[tilespmem:s25+$0x30] =	vst v10  }
0xa5: {  	s26 =	simm.s32 $0x0;
	s28 =	simm.s32 $0x30F0;
	v2 =	vld.idx.msk [tilespmem:v9+s15+$0x0], $0xffff;
	[tilespmem:s25+$0xFFFFFFD0] =	vst v11  }
.LBB2_9:
0xa6: {  	v6 =	vld [tilespmem:s28+$0x0];
	s26 =	sadd.s32 $0x80, s26;
	[tilespmem:s25+$0xFFFFFFE0] =	vst v5  }
0xa7: {  	v5 =	vld [tilespmem:s28+$0xFFFFFFA0];
	p0 =	slt.u32 s26, $0xF80;
	[tilespmem:s25+$0xFFFFFFF0] =	vst v4  }
0xa8: {  	v4 =	vld [tilespmem:s28+$0xFFFFFFB0];
	[tilespmem:s25+$0x0] =	vst v3  }
0xa9: {  	v3 =	vld [tilespmem:s28+$0xFFFFFFC0];
	[tilespmem:s25+$0x10] =	vst v1  }
0xaa: {  	v1 =	vld [tilespmem:s28+$0xFFFFFFD0];
	[tilespmem:s25+$0x20] =	vst v0  }
0xab: {  	v0 =	vld [tilespmem:s28+$0xFFFFFFE0];
	[tilespmem:s25+$0xFFFFFFC0] =	vst v2  }
0xac: {  	v2 =	vld [tilespmem:s28+$0xFFFFFFF0]  }
0xad: {  	v7 =	vld [tilespmem:s28+$0xFFFFFF90]  }
0xae: {  	v6 =	vld.idx.msk [tilespmem:v6+s15+$0x0], $0xffff  }
0xaf: {  	v8 =	vld.idx.msk [tilespmem:v5+s15+$0x0], $0xffff  }
0xb0: {  	v5 =	vld.idx.msk [tilespmem:v4+s15+$0x0], $0xffff  }
.Ltmp3:
0xb1: {  	v4 =	vld.idx.msk [tilespmem:v3+s15+$0x0], $0xffff;
	(pc) =	sbr.rel @p0 .LBB2_9-.Ltmp3, $4  }
0xb2: {  	v3 =	vld.idx.msk [tilespmem:v1+s15+$0x0], $0xffff  }
0xb3: {  	s25 =	sadd.s32 $0x80, s25;
	v1 =	vld.idx.msk [tilespmem:v0+s15+$0x0], $0xffff  }
0xb4: {  	v0 =	vld.idx.msk [tilespmem:v2+s15+$0x0], $0xffff;
	[tilespmem:s25+$0x30] =	vst v6  }
0xb5: {  	s28 =	sadd.s32 $0x80, s28;
	v2 =	vld.idx.msk [tilespmem:v7+s15+$0x0], $0xffff;
	[tilespmem:s25+$0xFFFFFFD0] =	vst v8  }
0xb6: {  	p0 =	seq.s32 s22, $0x1F  }
0xb7: {  	s23 =	sadd.s32 @!p0 $0x1, s23  }
0xb8: {  	[tilespmem:s25+$0xFFFFFFE0] =	vst v5;
	s26 =	sshrl.u32 @!p0 s23, $0x3  }
0xb9: {  	[tilespmem:s25+$0xFFFFFFF0] =	vst v4;
	s23 =	sshll.u32 @!p0 s23, $0x7;
	s26 =	smul.u32 @!p0 $0xC3800, s26  }
0xba: {  	[tilespmem:s25+$0x0] =	vst v3;
	s23 =	sand.u32 @!p0 $0x380, s23  }
0xbb: {  	[tilespmem:s25+$0x10] =	vst v1;
	s23 =	sor.u32 @!p0 s23, s26  }
0xbc: {  	s22 =	sadd.s32 $0x1, s22;
	s28 =	simm.s32 @!p0 $0x4000;
	[tilespmem:s25+$0x20] =	vst v0;
	s23 =	sshrl.u32 @!p0 s23, $0x3  }
0xbd: {  	[tilespmem:s25+$0xFFFFFFC0] =	vst v2;
	s25 =	simm.s32 @!p0 $0x80;
	s26 =	simm.s32 @!p0 $0x400;
	s23 =	sadd.s32 @!p0 s6, s23  }
0xbe: {  	[tilespmem:s28], [sflag:$0x1] =	stream.strided.gather @!p0 [hbm4b:s23+s25], $0x18700, s26, s25, $0x38;
	[tilespmem:$0x1E700] =	vst v63  }
0xbf: {  	p0 =	sne.s32 s22, $0x20  }
.Ltmp4:
0xc0: {  	_ = 	snop;
	(pc) =	sbr.rel @p0 .LBB2_2-.Ltmp4, $3  }
0xc1: {  	_ =	sdelay $0x1  }
0xc2: {  	s31 =	sadd.s32 s24, s10  }
0xc3: {  	[hbm4b:s31+s13] =	stream.strided.scatter [tilespmem:s18], [sflag:$0x3], $0x1000, s14, s13, $0x38;
	[tilespmem:$0x1E700] =	vst v63  }
0xc4: {  	s21 =	sadd.s32 $0x1, s21  }
0xc5: {  	_ =	swait.ge [sflag:s19], $0x1000;
	p0 =	sne.s32 s21, s11  }
.Ltmp5:
0xc6: {  	[sflag:s19] =	ssyncset.done $0x0;
	(pc) =	sbr.rel @p0 .LBB2_1-.Ltmp5, $4  }
0xc7: {  	[sflag:s19] =	ssyncadd.s32 $0xFFFFF000  }
0xc8: {  	_ =	swait.ge [sflag:s20], $0x1000  }
0xc9: {  	[sflag:s20] =	ssyncset.done $0x0  }
0xca: {  	[sflag:s20] =	ssyncadd.s32 $0xFFFFF000  }
0xcb: {  	_ =	sfence.sel $0x180000  }
0xcc: {  	[bflag:$0x0] =	sbarrier.arrive $0xFFFF  }
0xcd: {  	p0 =	sne.s32 s0, $0x0;
	_ =	strace $0x90000047  }
0xce: {  	s0 =	sadd.s32 @!p0 $0x100000, s1;
	[bflag:$0x2] =	sbarrier.arrive $0xFFFF  }
0xcf: {  	[sflag:s0] =	ssyncadd.tile.s32 @!p0 $0x1;
	_ =	shalt  }
.Lfunc_end2:
_tile_overlayer_lowered:
.L_overlay_start_2:
0xd0: {  	(tag) =	ssettag $0x2  }
0xd1: {  	s0 =	rddreg [dreg:$0x0];
	s2 =	stileid.u32  }
0xd2: {  	s1 =	rddreg [dreg:$0x1];
	p0 =	sne.s32 s2, $0x0  }
0xd3: {  	s3 =	rddreg [dreg:$0x2];
	[bflag:$0x3] =	sbarrier.arrive $0xFFFF;
	s2 =	simm.s32 @!p0 $0x1C04  }
0xd4: {  	[timem:s3], [sflag:s2] =	dma.local @!p0 [hbm:s0], s1  }
0xd5: {  	s0 =	simm.s32 @!p0 $0x4  }
0xd6: {  	_ =	swait.ge @!p0 [sflag:s0], s1  }
0xd7: {  	s1 =	ssub.s32 @!p0 $0x0, s1;
	[sflag:s0] =	ssyncset.done @!p0 $0x0  }
0xd8: {  	[sflag:s0] =	ssyncadd.s32 @!p0 s1  }
0xd9: {  	[bflag:$0x3] =	sbarrier.arrive $0xFFFF  }
0xda: {  	_ =	shalt  }

</sc_bundles>
